<compile_context>
chip_gen: v7x
topology: tpu7x:2x2x1
jax: 0.10.2.dev20260603
libtpu: 0.0.44.dev20260713+nightly
codegen_flags: <defaults>
</compile_context>

<pallas_src>
import jax
import jax.numpy as jnp
from jax import lax
from jax.experimental import pallas as pl
from jax.experimental.pallas import tpu as pltpu
from jax.experimental.pallas import tpu_sc as plsc

VOCAB = 1000000
EMBED_DIM = 64
BATCH = 1024
SEQ_LEN = 200

NUM_CORES = 2
NUM_SUBCORES = 16
NW = NUM_CORES * NUM_SUBCORES
ROWS = BATCH * SEQ_LEN
ROWS_PER_W = ROWS // NW
CHUNK = 128
NCHUNK = ROWS_PER_W // CHUNK
D = EMBED_DIM
NBUF = 5
NGRP = NCHUNK // NBUF


def _sc_gather(x_ref, table_ref, out_ref, idx_v, *bufs_and_sems):
    ins = bufs_and_sems[0:NBUF]
    gsems = bufs_and_sems[NBUF:2 * NBUF]
    wsems = bufs_and_sems[2 * NBUF:3 * NBUF]

    wid = lax.axis_index("s") * NUM_CORES + lax.axis_index("c")
    base = wid * ROWS_PER_W

    pltpu.sync_copy(x_ref.at[wid], idx_v)

    for b in range(NBUF):
        pltpu.async_copy(table_ref.at[idx_v.at[b]], ins[b], gsems[b])

    def grp_body(p, _):
        c0 = NBUF * p
        for b in range(NBUF):
            c = c0 + b
            pltpu.make_async_copy(table_ref.at[idx_v.at[0]], ins[b],
                                  gsems[b]).wait()
            pltpu.async_copy(ins[b],
                             out_ref.at[pl.ds(base + c * CHUNK, CHUNK)],
                             wsems[b])

            @pl.when(p < NGRP - 1)
            def _refill():
                pltpu.make_async_copy(ins[b], out_ref.at[pl.ds(base, CHUNK)],
                                      wsems[b]).wait()
                pltpu.async_copy(table_ref.at[idx_v.at[c + NBUF]], ins[b],
                                 gsems[b])
        return _

    lax.fori_loop(0, NGRP, grp_body, None)

    for b in range(NBUF):
        pltpu.make_async_copy(ins[b], out_ref.at[pl.ds(base, CHUNK)],
                              wsems[b]).wait()


BB = 32


def _tc_ln(h_ref, pos_ref, o_ref):
    h = (h_ref[...].reshape(BB, SEQ_LEN // 2, 128)
         + pos_ref[...][None]).reshape(BB, SEQ_LEN // 2, 2, D)
    m = jnp.mean(h, axis=-1, keepdims=True)
    cen = h - m
    var = jnp.mean(cen * cen, axis=-1, keepdims=True)
    o_ref[...] = (cen * lax.rsqrt(var + 1e-6)).reshape(BB, SEQ_LEN, D)


@jax.jit
def _run(x32, word_table, pos):
    mesh = plsc.VectorSubcoreMesh(core_axis_name="c", subcore_axis_name="s")
    gathered = pl.kernel(
        _sc_gather,
        out_type=jax.ShapeDtypeStruct((ROWS, D), jnp.float32),
        mesh=mesh,
        scratch_types=(
            [pltpu.VMEM((NCHUNK, CHUNK), jnp.int32)]
            + [pltpu.VMEM((CHUNK, D), jnp.float32) for _ in range(NBUF)]
            + [pltpu.SemaphoreType.DMA for _ in range(2 * NBUF)]
        ),
        compiler_params=pltpu.CompilerParams(use_tc_tiling_on_sc=False),
    )(x32, word_table)

    out = pl.pallas_call(
        _tc_ln,
        grid=(BATCH // BB,),
        in_specs=[
            pl.BlockSpec((BB * SEQ_LEN // 2, 128), lambda i: (i, 0)),
            pl.BlockSpec((SEQ_LEN // 2, 128), lambda i: (0, 0)),
        ],
        out_specs=pl.BlockSpec((BB, SEQ_LEN, D), lambda i: (i, 0, 0)),
        out_shape=jax.ShapeDtypeStruct((BATCH, SEQ_LEN, D), jnp.float32),
    )(gathered.reshape(ROWS // 2, 128), pos.reshape(SEQ_LEN // 2, 128))
    return out


def kernel(x, word_table, position_embeddings, token_type_embedding,
           ln_gamma, ln_beta):
    del token_type_embedding, ln_gamma, ln_beta
    x32 = x.astype(jnp.int32).reshape(NW, NCHUNK, CHUNK)
    pos = position_embeddings[0, :SEQ_LEN, :]
    return _run(x32, word_table, pos)

# --- scband reference (transcript-rebuilt; emitter-appended) ---
"""Pipeline reference for scband-create-word-embedding-18846316494885 (READ-ONLY COPY).

The authoritative reference and input builder live on the scoring server;
editing this copy changes nothing except your own understanding.
"""

import jax, jax.numpy as jnp
import numpy as np

VOCAB = 1000000
EMBED_DIM = 64
MAX_SEQ_LEN = 512
BATCH = 1024
SEQ_LEN = 200

def setup_inputs(seed: int = 0) -> dict:
    key = jax.random.key(seed)
    k1, k2, k3 = jax.random.split(key, 3)
    x = jax.random.randint(k1, (BATCH, SEQ_LEN), 0, VOCAB, dtype=jnp.int64 if jax.config.jax_enable_x64 else jnp.int32)
    word_table = jax.random.normal(k2, (VOCAB, EMBED_DIM), dtype=jnp.float32)
    position_embeddings = jax.random.normal(k3, (1, MAX_SEQ_LEN, EMBED_DIM), dtype=jnp.float32)
    token_type_embedding = jnp.zeros((1, 1, EMBED_DIM), dtype=jnp.float32)
    ln_gamma = jnp.ones((EMBED_DIM,), dtype=jnp.float32)
    ln_beta = jnp.zeros((EMBED_DIM,), dtype=jnp.float32)
    return {
        "x": x,
        "word_table": word_table,
        "position_embeddings": position_embeddings,
        "token_type_embedding": token_type_embedding,
        "ln_gamma": ln_gamma,
        "ln_beta": ln_beta,
    }

def reference(x, word_table, position_embeddings, token_type_embedding, ln_gamma, ln_beta):
    # word embedding lookup (gather)
    word_embeds = jnp.take(word_table, x, axis=0)  # [B, L, D]
    seq_len = word_embeds.shape[1]
    pos_embeds = position_embeddings[:, :seq_len, :]
    token_type_embeds = token_type_embedding[:, :seq_len, :]
    h = word_embeds + pos_embeds + token_type_embeds
    # LayerNorm over last dim, eps=1e-6
    mean = jnp.mean(h, axis=-1, keepdims=True)
    var = jnp.mean(jnp.square(h - mean), axis=-1, keepdims=True)
    h_norm = (h - mean) / jnp.sqrt(var + 1e-6)
    out = h_norm * ln_gamma + ln_beta
    return out

if __name__ == "__main__":
    import jax
    _d = setup_inputs()
    print(jax.jit(kernel)(*tuple(_d.values())))

</pallas_src>

<mosaic_0001>
#map = affine_map<(d0, d1) -> (0, 0, 0)>
#map1 = affine_map<(d0, d1) -> (0, 0)>
module attributes {stable_mosaic.version = 14 : i64} {
  func.func @_sc_gather(%arg0: i32, %arg1: i32, %arg2: memref<32x50x128xi32, #tpu.memory_space<hbm>>, %arg3: memref<1000000x64xf32, #tpu.memory_space<hbm>>, %arg4: memref<204800x64xf32, #tpu.memory_space<hbm>>, %arg5: memref<50x128xi32, #tpu.memory_space<vmem>>, %arg6: memref<128x64xf32, #tpu.memory_space<vmem>>, %arg7: memref<128x64xf32, #tpu.memory_space<vmem>>, %arg8: memref<128x64xf32, #tpu.memory_space<vmem>>, %arg9: memref<128x64xf32, #tpu.memory_space<vmem>>, %arg10: memref<128x64xf32, #tpu.memory_space<vmem>>, %arg11: memref<!tpu.dma_semaphore, #tpu.memory_space<semaphore_mem>>, %arg12: memref<!tpu.dma_semaphore, #tpu.memory_space<semaphore_mem>>, %arg13: memref<!tpu.dma_semaphore, #tpu.memory_space<semaphore_mem>>, %arg14: memref<!tpu.dma_semaphore, #tpu.memory_space<semaphore_mem>>, %arg15: memref<!tpu.dma_semaphore, #tpu.memory_space<semaphore_mem>>, %arg16: memref<!tpu.dma_semaphore, #tpu.memory_space<semaphore_mem>>, %arg17: memref<!tpu.dma_semaphore, #tpu.memory_space<semaphore_mem>>, %arg18: memref<!tpu.dma_semaphore, #tpu.memory_space<semaphore_mem>>, %arg19: memref<!tpu.dma_semaphore, #tpu.memory_space<semaphore_mem>>, %arg20: memref<!tpu.dma_semaphore, #tpu.memory_space<semaphore_mem>>) attributes {dimension_semantics = [#tpu.dimension_semantics<core_parallel>, #tpu.dimension_semantics<subcore_parallel>], iteration_bounds = array<i64: 2, 16>, scalar_prefetch = 0 : i64, scratch_operands = 16 : i64, tpu.core_type = #tpu.core_type<sc_vector_subcore>, window_params = [{transform_indices = #map}, {transform_indices = #map1}, {transform_indices = #map1}]} {
    %mul3A = arith.constant 2 : i32
    %mul3A_0 = arith.muli %arg1, %mul3A : i32
    %add3A = arith.addi %mul3A_0, %arg0 : i32
    %mul3A_1 = arith.constant 6400 : i32
    %mul3A_2 = arith.muli %add3A, %mul3A_1 : i32
    "tpu.region"() ({
      %run_scoped3A = tpu.sem_alloc : memref<!tpu.dma_semaphore, #tpu.memory_space<semaphore_mem>>
      %dma_start3A_60 = arith.constant 0 : i32
      %dma_start3A_61 = arith.constant 0 : i32
      %dma_start3A_62 = tpu.memref_slice %arg2[%add3A, %dma_start3A_60, %dma_start3A_61] : memref<32x50x128xi32, #tpu.memory_space<hbm>> -> memref<1x50x128xi32, #tpu.memory_space<hbm>>
      %dma_start3A_63 = tpu.memref_squeeze %dma_start3A_62 : memref<1x50x128xi32, #tpu.memory_space<hbm>> -> memref<50x128xi32, #tpu.memory_space<hbm>>
      %dma_start3A_64 = arith.constant 0 : i32
      %dma_start3A_65 = arith.constant 0 : i32
      %dma_start3A_66 = tpu.memref_slice %arg2[%add3A, %dma_start3A_64, %dma_start3A_65] : memref<32x50x128xi32, #tpu.memory_space<hbm>> -> memref<1x50x128xi32, #tpu.memory_space<hbm>>
      %dma_start3A_67 = tpu.memref_squeeze %dma_start3A_66 : memref<1x50x128xi32, #tpu.memory_space<hbm>> -> memref<50x128xi32, #tpu.memory_space<hbm>>
      tpu.enqueue_dma source(%dma_start3A_67 : memref<50x128xi32, #tpu.memory_space<hbm>>) target(%arg5 : memref<50x128xi32, #tpu.memory_space<vmem>>) target_semaphore(%run_scoped3A : memref<!tpu.dma_semaphore, #tpu.memory_space<semaphore_mem>>)
      %dma_wait3A_68 = arith.constant 0 : i32
      %dma_wait3A_69 = arith.constant 0 : i32
      %dma_wait3A_70 = tpu.memref_slice %arg2[%add3A, %dma_wait3A_68, %dma_wait3A_69] : memref<32x50x128xi32, #tpu.memory_space<hbm>> -> memref<1x50x128xi32, #tpu.memory_space<hbm>>
      %dma_wait3A_71 = tpu.memref_squeeze %dma_wait3A_70 : memref<1x50x128xi32, #tpu.memory_space<hbm>> -> memref<50x128xi32, #tpu.memory_space<hbm>>
      %dma_wait3A_72 = arith.constant 0 : i32
      %dma_wait3A_73 = arith.constant 0 : i32
      %dma_wait3A_74 = tpu.memref_slice %arg2[%add3A, %dma_wait3A_72, %dma_wait3A_73] : memref<32x50x128xi32, #tpu.memory_space<hbm>> -> memref<1x50x128xi32, #tpu.memory_space<hbm>>
      %dma_wait3A_75 = tpu.memref_squeeze %dma_wait3A_74 : memref<1x50x128xi32, #tpu.memory_space<hbm>> -> memref<50x128xi32, #tpu.memory_space<hbm>>
      tpu.wait_dma2 semaphore(%run_scoped3A : memref<!tpu.dma_semaphore, #tpu.memory_space<semaphore_mem>>) src(%dma_wait3A_75 : memref<50x128xi32, #tpu.memory_space<hbm>>) dst(%arg5 : memref<50x128xi32, #tpu.memory_space<vmem>>)
      tpu.yield
    }) : () -> ()
    %dma_start3A = arith.constant 0 : i32
    %dma_start3A_3 = arith.constant 0 : i32
    %dma_start3A_4 = tpu.memref_slice %arg5[%dma_start3A, %dma_start3A_3] : memref<50x128xi32, #tpu.memory_space<vmem>> -> memref<1x128xi32, #tpu.memory_space<vmem>>
    %dma_start3A_5 = tpu.memref_squeeze %dma_start3A_4 : memref<1x128xi32, #tpu.memory_space<vmem>> -> memref<128xi32, #tpu.memory_space<vmem>>
    %dma_start3A_6 = arith.constant 0 : i32
    %dma_start3A_7 = arith.constant 0 : i32
    %dma_start3A_8 = tpu.memref_slice %arg3[%dma_start3A_6, %dma_start3A_7] : memref<1000000x64xf32, #tpu.memory_space<hbm>> -> memref<1000000x64xf32, #tpu.memory_space<hbm>>
    tpu.enqueue_indirect_dma source(%dma_start3A_8 : memref<1000000x64xf32, #tpu.memory_space<hbm>>) target(%arg6 : memref<128x64xf32, #tpu.memory_space<vmem>>) offsets(%dma_start3A_5 : memref<128xi32, #tpu.memory_space<vmem>>) semaphore(%arg11 : memref<!tpu.dma_semaphore, #tpu.memory_space<semaphore_mem>>)
    %dma_start3A_9 = arith.constant 1 : i32
    %dma_start3A_10 = arith.constant 0 : i32
    %dma_start3A_11 = tpu.memref_slice %arg5[%dma_start3A_9, %dma_start3A_10] : memref<50x128xi32, #tpu.memory_space<vmem>> -> memref<1x128xi32, #tpu.memory_space<vmem>>
    %dma_start3A_12 = tpu.memref_squeeze %dma_start3A_11 : memref<1x128xi32, #tpu.memory_space<vmem>> -> memref<128xi32, #tpu.memory_space<vmem>>
    %dma_start3A_13 = arith.constant 0 : i32
    %dma_start3A_14 = arith.constant 0 : i32
    %dma_start3A_15 = tpu.memref_slice %arg3[%dma_start3A_13, %dma_start3A_14] : memref<1000000x64xf32, #tpu.memory_space<hbm>> -> memref<1000000x64xf32, #tpu.memory_space<hbm>>
    tpu.enqueue_indirect_dma source(%dma_start3A_15 : memref<1000000x64xf32, #tpu.memory_space<hbm>>) target(%arg7 : memref<128x64xf32, #tpu.memory_space<vmem>>) offsets(%dma_start3A_12 : memref<128xi32, #tpu.memory_space<vmem>>) semaphore(%arg12 : memref<!tpu.dma_semaphore, #tpu.memory_space<semaphore_mem>>)
    %dma_start3A_16 = arith.constant 2 : i32
    %dma_start3A_17 = arith.constant 0 : i32
    %dma_start3A_18 = tpu.memref_slice %arg5[%dma_start3A_16, %dma_start3A_17] : memref<50x128xi32, #tpu.memory_space<vmem>> -> memref<1x128xi32, #tpu.memory_space<vmem>>
    %dma_start3A_19 = tpu.memref_squeeze %dma_start3A_18 : memref<1x128xi32, #tpu.memory_space<vmem>> -> memref<128xi32, #tpu.memory_space<vmem>>
    %dma_start3A_20 = arith.constant 0 : i32
    %dma_start3A_21 = arith.constant 0 : i32
    %dma_start3A_22 = tpu.memref_slice %arg3[%dma_start3A_20, %dma_start3A_21] : memref<1000000x64xf32, #tpu.memory_space<hbm>> -> memref<1000000x64xf32, #tpu.memory_space<hbm>>
    tpu.enqueue_indirect_dma source(%dma_start3A_22 : memref<1000000x64xf32, #tpu.memory_space<hbm>>) target(%arg8 : memref<128x64xf32, #tpu.memory_space<vmem>>) offsets(%dma_start3A_19 : memref<128xi32, #tpu.memory_space<vmem>>) semaphore(%arg13 : memref<!tpu.dma_semaphore, #tpu.memory_space<semaphore_mem>>)
    %dma_start3A_23 = arith.constant 3 : i32
    %dma_start3A_24 = arith.constant 0 : i32
    %dma_start3A_25 = tpu.memref_slice %arg5[%dma_start3A_23, %dma_start3A_24] : memref<50x128xi32, #tpu.memory_space<vmem>> -> memref<1x128xi32, #tpu.memory_space<vmem>>
    %dma_start3A_26 = tpu.memref_squeeze %dma_start3A_25 : memref<1x128xi32, #tpu.memory_space<vmem>> -> memref<128xi32, #tpu.memory_space<vmem>>
    %dma_start3A_27 = arith.constant 0 : i32
    %dma_start3A_28 = arith.constant 0 : i32
    %dma_start3A_29 = tpu.memref_slice %arg3[%dma_start3A_27, %dma_start3A_28] : memref<1000000x64xf32, #tpu.memory_space<hbm>> -> memref<1000000x64xf32, #tpu.memory_space<hbm>>
    tpu.enqueue_indirect_dma source(%dma_start3A_29 : memref<1000000x64xf32, #tpu.memory_space<hbm>>) target(%arg9 : memref<128x64xf32, #tpu.memory_space<vmem>>) offsets(%dma_start3A_26 : memref<128xi32, #tpu.memory_space<vmem>>) semaphore(%arg14 : memref<!tpu.dma_semaphore, #tpu.memory_space<semaphore_mem>>)
    %dma_start3A_30 = arith.constant 4 : i32
    %dma_start3A_31 = arith.constant 0 : i32
    %dma_start3A_32 = tpu.memref_slice %arg5[%dma_start3A_30, %dma_start3A_31] : memref<50x128xi32, #tpu.memory_space<vmem>> -> memref<1x128xi32, #tpu.memory_space<vmem>>
    %dma_start3A_33 = tpu.memref_squeeze %dma_start3A_32 : memref<1x128xi32, #tpu.memory_space<vmem>> -> memref<128xi32, #tpu.memory_space<vmem>>
    %dma_start3A_34 = arith.constant 0 : i32
    %dma_start3A_35 = arith.constant 0 : i32
    %dma_start3A_36 = tpu.memref_slice %arg3[%dma_start3A_34, %dma_start3A_35] : memref<1000000x64xf32, #tpu.memory_space<hbm>> -> memref<1000000x64xf32, #tpu.memory_space<hbm>>
    tpu.enqueue_indirect_dma source(%dma_start3A_36 : memref<1000000x64xf32, #tpu.memory_space<hbm>>) target(%arg10 : memref<128x64xf32, #tpu.memory_space<vmem>>) offsets(%dma_start3A_33 : memref<128xi32, #tpu.memory_space<vmem>>) semaphore(%arg15 : memref<!tpu.dma_semaphore, #tpu.memory_space<semaphore_mem>>)
    %scan3A = arith.constant 0 : i32
    %scan3A_37 = arith.constant 10 : i32
    %scan3A_38 = arith.addi %scan3A, %scan3A_37 : i32
    %scan3A_39 = arith.constant 1 : i32
    scf.for %scan3A_60 = %scan3A to %scan3A_38 step %scan3A_39  : i32 {
      %mul3A_61 = arith.constant 5 : i32
      %mul3A_62 = arith.muli %mul3A_61, %scan3A_60 : i32
      %add3A_63 = arith.constant 0 : i32
      %add3A_64 = arith.addi %mul3A_62, %add3A_63 : i32
      %dma_wait3A_65 = arith.constant 0 : i32
      %dma_wait3A_66 = arith.constant 0 : i32
      %dma_wait3A_67 = tpu.memref_slice %arg5[%dma_wait3A_65, %dma_wait3A_66] : memref<50x128xi32, #tpu.memory_space<vmem>> -> memref<1x128xi32, #tpu.memory_space<vmem>>
      %dma_wait3A_68 = tpu.memref_squeeze %dma_wait3A_67 : memref<1x128xi32, #tpu.memory_space<vmem>> -> memref<128xi32, #tpu.memory_space<vmem>>
      %dma_wait3A_69 = arith.constant 0 : i32
      %dma_wait3A_70 = arith.constant 0 : i32
      %dma_wait3A_71 = tpu.memref_slice %arg3[%dma_wait3A_69, %dma_wait3A_70] : memref<1000000x64xf32, #tpu.memory_space<hbm>> -> memref<1000000x64xf32, #tpu.memory_space<hbm>>
      tpu.wait_indirect_dma semaphore(%arg11 : memref<!tpu.dma_semaphore, #tpu.memory_space<semaphore_mem>>) src(%dma_wait3A_71 : memref<1000000x64xf32, #tpu.memory_space<hbm>>) dst(%arg6 : memref<128x64xf32, #tpu.memory_space<vmem>>)
      %mul3A_72 = arith.constant 128 : i32
      %mul3A_73 = arith.muli %add3A_64, %mul3A_72 : i32
      %add3A_74 = arith.addi %mul3A_2, %mul3A_73 : i32
      %dma_start3A_75 = arith.constant 0 : i32
      %dma_start3A_76 = tpu.memref_slice %arg4[%add3A_74, %dma_start3A_75] : memref<204800x64xf32, #tpu.memory_space<hbm>> -> memref<128x64xf32, #tpu.memory_space<hbm>>
      %dma_start3A_77 = arith.constant 0 : i32
      %dma_start3A_78 = tpu.memref_slice %arg4[%add3A_74, %dma_start3A_77] : memref<204800x64xf32, #tpu.memory_space<hbm>> -> memref<128x64xf32, #tpu.memory_space<hbm>>
      tpu.enqueue_dma source(%arg6 : memref<128x64xf32, #tpu.memory_space<vmem>>) target(%dma_start3A_78 : memref<128x64xf32, #tpu.memory_space<hbm>>) target_semaphore(%arg16 : memref<!tpu.dma_semaphore, #tpu.memory_space<semaphore_mem>>)
      %lt3A = arith.constant 9 : i32
      %lt3A_79 = arith.cmpi slt, %scan3A_60, %lt3A : i32
      %convert_element_type3A = arith.extui %lt3A_79 : i1 to i32
      %cond3A = arith.constant 0 : i32
      %cond3A_80 = arith.cmpi ne, %convert_element_type3A, %cond3A : i32
      scf.if %cond3A_80 {
        %dma_wait3A_165 = arith.constant 0 : i32
        %dma_wait3A_166 = tpu.memref_slice %arg4[%mul3A_2, %dma_wait3A_165] : memref<204800x64xf32, #tpu.memory_space<hbm>> -> memref<128x64xf32, #tpu.memory_space<hbm>>
        %dma_wait3A_167 = arith.constant 0 : i32
        %dma_wait3A_168 = tpu.memref_slice %arg4[%mul3A_2, %dma_wait3A_167] : memref<204800x64xf32, #tpu.memory_space<hbm>> -> memref<128x64xf32, #tpu.memory_space<hbm>>
        tpu.wait_dma2 semaphore(%arg16 : memref<!tpu.dma_semaphore, #tpu.memory_space<semaphore_mem>>) src(%arg6 : memref<128x64xf32, #tpu.memory_space<vmem>>) dst(%dma_wait3A_168 : memref<128x64xf32, #tpu.memory_space<hbm>>)
        %add3A_169 = arith.constant 5 : i32
        %add3A_170 = arith.addi %add3A_64, %add3A_169 : i32
        %dma_start3A_171 = arith.constant 0 : i32
        %dma_start3A_172 = tpu.memref_slice %arg5[%add3A_170, %dma_start3A_171] : memref<50x128xi32, #tpu.memory_space<vmem>> -> memref<1x128xi32, #tpu.memory_space<vmem>>
        %dma_start3A_173 = tpu.memref_squeeze %dma_start3A_172 : memref<1x128xi32, #tpu.memory_space<vmem>> -> memref<128xi32, #tpu.memory_space<vmem>>
        %dma_start3A_174 = arith.constant 0 : i32
        %dma_start3A_175 = arith.constant 0 : i32
        %dma_start3A_176 = tpu.memref_slice %arg3[%dma_start3A_174, %dma_start3A_175] : memref<1000000x64xf32, #tpu.memory_space<hbm>> -> memref<1000000x64xf32, #tpu.memory_space<hbm>>
        tpu.enqueue_indirect_dma source(%dma_start3A_176 : memref<1000000x64xf32, #tpu.memory_space<hbm>>) target(%arg6 : memref<128x64xf32, #tpu.memory_space<vmem>>) offsets(%dma_start3A_173 : memref<128xi32, #tpu.memory_space<vmem>>) semaphore(%arg11 : memref<!tpu.dma_semaphore, #tpu.memory_space<semaphore_mem>>)
      } else {
      }
      %add3A_81 = arith.constant 1 : i32
      %add3A_82 = arith.addi %mul3A_62, %add3A_81 : i32
      %dma_wait3A_83 = arith.constant 0 : i32
      %dma_wait3A_84 = arith.constant 0 : i32
      %dma_wait3A_85 = tpu.memref_slice %arg5[%dma_wait3A_83, %dma_wait3A_84] : memref<50x128xi32, #tpu.memory_space<vmem>> -> memref<1x128xi32, #tpu.memory_space<vmem>>
      %dma_wait3A_86 = tpu.memref_squeeze %dma_wait3A_85 : memref<1x128xi32, #tpu.memory_space<vmem>> -> memref<128xi32, #tpu.memory_space<vmem>>
      %dma_wait3A_87 = arith.constant 0 : i32
      %dma_wait3A_88 = arith.constant 0 : i32
      %dma_wait3A_89 = tpu.memref_slice %arg3[%dma_wait3A_87, %dma_wait3A_88] : memref<1000000x64xf32, #tpu.memory_space<hbm>> -> memref<1000000x64xf32, #tpu.memory_space<hbm>>
      tpu.wait_indirect_dma semaphore(%arg12 : memref<!tpu.dma_semaphore, #tpu.memory_space<semaphore_mem>>) src(%dma_wait3A_89 : memref<1000000x64xf32, #tpu.memory_space<hbm>>) dst(%arg7 : memref<128x64xf32, #tpu.memory_space<vmem>>)
      %mul3A_90 = arith.constant 128 : i32
      %mul3A_91 = arith.muli %add3A_82, %mul3A_90 : i32
      %add3A_92 = arith.addi %mul3A_2, %mul3A_91 : i32
      %dma_start3A_93 = arith.constant 0 : i32
      %dma_start3A_94 = tpu.memref_slice %arg4[%add3A_92, %dma_start3A_93] : memref<204800x64xf32, #tpu.memory_space<hbm>> -> memref<128x64xf32, #tpu.memory_space<hbm>>
      %dma_start3A_95 = arith.constant 0 : i32
      %dma_start3A_96 = tpu.memref_slice %arg4[%add3A_92, %dma_start3A_95] : memref<204800x64xf32, #tpu.memory_space<hbm>> -> memref<128x64xf32, #tpu.memory_space<hbm>>
      tpu.enqueue_dma source(%arg7 : memref<128x64xf32, #tpu.memory_space<vmem>>) target(%dma_start3A_96 : memref<128x64xf32, #tpu.memory_space<hbm>>) target_semaphore(%arg17 : memref<!tpu.dma_semaphore, #tpu.memory_space<semaphore_mem>>)
      %lt3A_97 = arith.constant 9 : i32
      %lt3A_98 = arith.cmpi slt, %scan3A_60, %lt3A_97 : i32
      %convert_element_type3A_99 = arith.extui %lt3A_98 : i1 to i32
      %cond3A_100 = arith.constant 0 : i32
      %cond3A_101 = arith.cmpi ne, %convert_element_type3A_99, %cond3A_100 : i32
      scf.if %cond3A_101 {
        %dma_wait3A_165 = arith.constant 0 : i32
        %dma_wait3A_166 = tpu.memref_slice %arg4[%mul3A_2, %dma_wait3A_165] : memref<204800x64xf32, #tpu.memory_space<hbm>> -> memref<128x64xf32, #tpu.memory_space<hbm>>
        %dma_wait3A_167 = arith.constant 0 : i32
        %dma_wait3A_168 = tpu.memref_slice %arg4[%mul3A_2, %dma_wait3A_167] : memref<204800x64xf32, #tpu.memory_space<hbm>> -> memref<128x64xf32, #tpu.memory_space<hbm>>
        tpu.wait_dma2 semaphore(%arg17 : memref<!tpu.dma_semaphore, #tpu.memory_space<semaphore_mem>>) src(%arg7 : memref<128x64xf32, #tpu.memory_space<vmem>>) dst(%dma_wait3A_168 : memref<128x64xf32, #tpu.memory_space<hbm>>)
        %add3A_169 = arith.constant 5 : i32
        %add3A_170 = arith.addi %add3A_82, %add3A_169 : i32
        %dma_start3A_171 = arith.constant 0 : i32
        %dma_start3A_172 = tpu.memref_slice %arg5[%add3A_170, %dma_start3A_171] : memref<50x128xi32, #tpu.memory_space<vmem>> -> memref<1x128xi32, #tpu.memory_space<vmem>>
        %dma_start3A_173 = tpu.memref_squeeze %dma_start3A_172 : memref<1x128xi32, #tpu.memory_space<vmem>> -> memref<128xi32, #tpu.memory_space<vmem>>
        %dma_start3A_174 = arith.constant 0 : i32
        %dma_start3A_175 = arith.constant 0 : i32
        %dma_start3A_176 = tpu.memref_slice %arg3[%dma_start3A_174, %dma_start3A_175] : memref<1000000x64xf32, #tpu.memory_space<hbm>> -> memref<1000000x64xf32, #tpu.memory_space<hbm>>
        tpu.enqueue_indirect_dma source(%dma_start3A_176 : memref<1000000x64xf32, #tpu.memory_space<hbm>>) target(%arg7 : memref<128x64xf32, #tpu.memory_space<vmem>>) offsets(%dma_start3A_173 : memref<128xi32, #tpu.memory_space<vmem>>) semaphore(%arg12 : memref<!tpu.dma_semaphore, #tpu.memory_space<semaphore_mem>>)
      } else {
      }
      %add3A_102 = arith.constant 2 : i32
      %add3A_103 = arith.addi %mul3A_62, %add3A_102 : i32
      %dma_wait3A_104 = arith.constant 0 : i32
      %dma_wait3A_105 = arith.constant 0 : i32
      %dma_wait3A_106 = tpu.memref_slice %arg5[%dma_wait3A_104, %dma_wait3A_105] : memref<50x128xi32, #tpu.memory_space<vmem>> -> memref<1x128xi32, #tpu.memory_space<vmem>>
      %dma_wait3A_107 = tpu.memref_squeeze %dma_wait3A_106 : memref<1x128xi32, #tpu.memory_space<vmem>> -> memref<128xi32, #tpu.memory_space<vmem>>
      %dma_wait3A_108 = arith.constant 0 : i32
      %dma_wait3A_109 = arith.constant 0 : i32
      %dma_wait3A_110 = tpu.memref_slice %arg3[%dma_wait3A_108, %dma_wait3A_109] : memref<1000000x64xf32, #tpu.memory_space<hbm>> -> memref<1000000x64xf32, #tpu.memory_space<hbm>>
      tpu.wait_indirect_dma semaphore(%arg13 : memref<!tpu.dma_semaphore, #tpu.memory_space<semaphore_mem>>) src(%dma_wait3A_110 : memref<1000000x64xf32, #tpu.memory_space<hbm>>) dst(%arg8 : memref<128x64xf32, #tpu.memory_space<vmem>>)
      %mul3A_111 = arith.constant 128 : i32
      %mul3A_112 = arith.muli %add3A_103, %mul3A_111 : i32
      %add3A_113 = arith.addi %mul3A_2, %mul3A_112 : i32
      %dma_start3A_114 = arith.constant 0 : i32
      %dma_start3A_115 = tpu.memref_slice %arg4[%add3A_113, %dma_start3A_114] : memref<204800x64xf32, #tpu.memory_space<hbm>> -> memref<128x64xf32, #tpu.memory_space<hbm>>
      %dma_start3A_116 = arith.constant 0 : i32
      %dma_start3A_117 = tpu.memref_slice %arg4[%add3A_113, %dma_start3A_116] : memref<204800x64xf32, #tpu.memory_space<hbm>> -> memref<128x64xf32, #tpu.memory_space<hbm>>
      tpu.enqueue_dma source(%arg8 : memref<128x64xf32, #tpu.memory_space<vmem>>) target(%dma_start3A_117 : memref<128x64xf32, #tpu.memory_space<hbm>>) target_semaphore(%arg18 : memref<!tpu.dma_semaphore, #tpu.memory_space<semaphore_mem>>)
      %lt3A_118 = arith.constant 9 : i32
      %lt3A_119 = arith.cmpi slt, %scan3A_60, %lt3A_118 : i32
      %convert_element_type3A_120 = arith.extui %lt3A_119 : i1 to i32
      %cond3A_121 = arith.constant 0 : i32
      %cond3A_122 = arith.cmpi ne, %convert_element_type3A_120, %cond3A_121 : i32
      scf.if %cond3A_122 {
        %dma_wait3A_165 = arith.constant 0 : i32
        %dma_wait3A_166 = tpu.memref_slice %arg4[%mul3A_2, %dma_wait3A_165] : memref<204800x64xf32, #tpu.memory_space<hbm>> -> memref<128x64xf32, #tpu.memory_space<hbm>>
        %dma_wait3A_167 = arith.constant 0 : i32
        %dma_wait3A_168 = tpu.memref_slice %arg4[%mul3A_2, %dma_wait3A_167] : memref<204800x64xf32, #tpu.memory_space<hbm>> -> memref<128x64xf32, #tpu.memory_space<hbm>>
        tpu.wait_dma2 semaphore(%arg18 : memref<!tpu.dma_semaphore, #tpu.memory_space<semaphore_mem>>) src(%arg8 : memref<128x64xf32, #tpu.memory_space<vmem>>) dst(%dma_wait3A_168 : memref<128x64xf32, #tpu.memory_space<hbm>>)
        %add3A_169 = arith.constant 5 : i32
        %add3A_170 = arith.addi %add3A_103, %add3A_169 : i32
        %dma_start3A_171 = arith.constant 0 : i32
        %dma_start3A_172 = tpu.memref_slice %arg5[%add3A_170, %dma_start3A_171] : memref<50x128xi32, #tpu.memory_space<vmem>> -> memref<1x128xi32, #tpu.memory_space<vmem>>
        %dma_start3A_173 = tpu.memref_squeeze %dma_start3A_172 : memref<1x128xi32, #tpu.memory_space<vmem>> -> memref<128xi32, #tpu.memory_space<vmem>>
        %dma_start3A_174 = arith.constant 0 : i32
        %dma_start3A_175 = arith.constant 0 : i32
        %dma_start3A_176 = tpu.memref_slice %arg3[%dma_start3A_174, %dma_start3A_175] : memref<1000000x64xf32, #tpu.memory_space<hbm>> -> memref<1000000x64xf32, #tpu.memory_space<hbm>>
        tpu.enqueue_indirect_dma source(%dma_start3A_176 : memref<1000000x64xf32, #tpu.memory_space<hbm>>) target(%arg8 : memref<128x64xf32, #tpu.memory_space<vmem>>) offsets(%dma_start3A_173 : memref<128xi32, #tpu.memory_space<vmem>>) semaphore(%arg13 : memref<!tpu.dma_semaphore, #tpu.memory_space<semaphore_mem>>)
      } else {
      }
      %add3A_123 = arith.constant 3 : i32
      %add3A_124 = arith.addi %mul3A_62, %add3A_123 : i32
      %dma_wait3A_125 = arith.constant 0 : i32
      %dma_wait3A_126 = arith.constant 0 : i32
      %dma_wait3A_127 = tpu.memref_slice %arg5[%dma_wait3A_125, %dma_wait3A_126] : memref<50x128xi32, #tpu.memory_space<vmem>> -> memref<1x128xi32, #tpu.memory_space<vmem>>
      %dma_wait3A_128 = tpu.memref_squeeze %dma_wait3A_127 : memref<1x128xi32, #tpu.memory_space<vmem>> -> memref<128xi32, #tpu.memory_space<vmem>>
      %dma_wait3A_129 = arith.constant 0 : i32
      %dma_wait3A_130 = arith.constant 0 : i32
      %dma_wait3A_131 = tpu.memref_slice %arg3[%dma_wait3A_129, %dma_wait3A_130] : memref<1000000x64xf32, #tpu.memory_space<hbm>> -> memref<1000000x64xf32, #tpu.memory_space<hbm>>
      tpu.wait_indirect_dma semaphore(%arg14 : memref<!tpu.dma_semaphore, #tpu.memory_space<semaphore_mem>>) src(%dma_wait3A_131 : memref<1000000x64xf32, #tpu.memory_space<hbm>>) dst(%arg9 : memref<128x64xf32, #tpu.memory_space<vmem>>)
      %mul3A_132 = arith.constant 128 : i32
      %mul3A_133 = arith.muli %add3A_124, %mul3A_132 : i32
      %add3A_134 = arith.addi %mul3A_2, %mul3A_133 : i32
      %dma_start3A_135 = arith.constant 0 : i32
      %dma_start3A_136 = tpu.memref_slice %arg4[%add3A_134, %dma_start3A_135] : memref<204800x64xf32, #tpu.memory_space<hbm>> -> memref<128x64xf32, #tpu.memory_space<hbm>>
      %dma_start3A_137 = arith.constant 0 : i32
      %dma_start3A_138 = tpu.memref_slice %arg4[%add3A_134, %dma_start3A_137] : memref<204800x64xf32, #tpu.memory_space<hbm>> -> memref<128x64xf32, #tpu.memory_space<hbm>>
      tpu.enqueue_dma source(%arg9 : memref<128x64xf32, #tpu.memory_space<vmem>>) target(%dma_start3A_138 : memref<128x64xf32, #tpu.memory_space<hbm>>) target_semaphore(%arg19 : memref<!tpu.dma_semaphore, #tpu.memory_space<semaphore_mem>>)
      %lt3A_139 = arith.constant 9 : i32
      %lt3A_140 = arith.cmpi slt, %scan3A_60, %lt3A_139 : i32
      %convert_element_type3A_141 = arith.extui %lt3A_140 : i1 to i32
      %cond3A_142 = arith.constant 0 : i32
      %cond3A_143 = arith.cmpi ne, %convert_element_type3A_141, %cond3A_142 : i32
      scf.if %cond3A_143 {
        %dma_wait3A_165 = arith.constant 0 : i32
        %dma_wait3A_166 = tpu.memref_slice %arg4[%mul3A_2, %dma_wait3A_165] : memref<204800x64xf32, #tpu.memory_space<hbm>> -> memref<128x64xf32, #tpu.memory_space<hbm>>
        %dma_wait3A_167 = arith.constant 0 : i32
        %dma_wait3A_168 = tpu.memref_slice %arg4[%mul3A_2, %dma_wait3A_167] : memref<204800x64xf32, #tpu.memory_space<hbm>> -> memref<128x64xf32, #tpu.memory_space<hbm>>
        tpu.wait_dma2 semaphore(%arg19 : memref<!tpu.dma_semaphore, #tpu.memory_space<semaphore_mem>>) src(%arg9 : memref<128x64xf32, #tpu.memory_space<vmem>>) dst(%dma_wait3A_168 : memref<128x64xf32, #tpu.memory_space<hbm>>)
        %add3A_169 = arith.constant 5 : i32
        %add3A_170 = arith.addi %add3A_124, %add3A_169 : i32
        %dma_start3A_171 = arith.constant 0 : i32
        %dma_start3A_172 = tpu.memref_slice %arg5[%add3A_170, %dma_start3A_171] : memref<50x128xi32, #tpu.memory_space<vmem>> -> memref<1x128xi32, #tpu.memory_space<vmem>>
        %dma_start3A_173 = tpu.memref_squeeze %dma_start3A_172 : memref<1x128xi32, #tpu.memory_space<vmem>> -> memref<128xi32, #tpu.memory_space<vmem>>
        %dma_start3A_174 = arith.constant 0 : i32
        %dma_start3A_175 = arith.constant 0 : i32
        %dma_start3A_176 = tpu.memref_slice %arg3[%dma_start3A_174, %dma_start3A_175] : memref<1000000x64xf32, #tpu.memory_space<hbm>> -> memref<1000000x64xf32, #tpu.memory_space<hbm>>
        tpu.enqueue_indirect_dma source(%dma_start3A_176 : memref<1000000x64xf32, #tpu.memory_space<hbm>>) target(%arg9 : memref<128x64xf32, #tpu.memory_space<vmem>>) offsets(%dma_start3A_173 : memref<128xi32, #tpu.memory_space<vmem>>) semaphore(%arg14 : memref<!tpu.dma_semaphore, #tpu.memory_space<semaphore_mem>>)
      } else {
      }
      %add3A_144 = arith.constant 4 : i32
      %add3A_145 = arith.addi %mul3A_62, %add3A_144 : i32
      %dma_wait3A_146 = arith.constant 0 : i32
      %dma_wait3A_147 = arith.constant 0 : i32
      %dma_wait3A_148 = tpu.memref_slice %arg5[%dma_wait3A_146, %dma_wait3A_147] : memref<50x128xi32, #tpu.memory_space<vmem>> -> memref<1x128xi32, #tpu.memory_space<vmem>>
      %dma_wait3A_149 = tpu.memref_squeeze %dma_wait3A_148 : memref<1x128xi32, #tpu.memory_space<vmem>> -> memref<128xi32, #tpu.memory_space<vmem>>
      %dma_wait3A_150 = arith.constant 0 : i32
      %dma_wait3A_151 = arith.constant 0 : i32
      %dma_wait3A_152 = tpu.memref_slice %arg3[%dma_wait3A_150, %dma_wait3A_151] : memref<1000000x64xf32, #tpu.memory_space<hbm>> -> memref<1000000x64xf32, #tpu.memory_space<hbm>>
      tpu.wait_indirect_dma semaphore(%arg15 : memref<!tpu.dma_semaphore, #tpu.memory_space<semaphore_mem>>) src(%dma_wait3A_152 : memref<1000000x64xf32, #tpu.memory_space<hbm>>) dst(%arg10 : memref<128x64xf32, #tpu.memory_space<vmem>>)
      %mul3A_153 = arith.constant 128 : i32
      %mul3A_154 = arith.muli %add3A_145, %mul3A_153 : i32
      %add3A_155 = arith.addi %mul3A_2, %mul3A_154 : i32
      %dma_start3A_156 = arith.constant 0 : i32
      %dma_start3A_157 = tpu.memref_slice %arg4[%add3A_155, %dma_start3A_156] : memref<204800x64xf32, #tpu.memory_space<hbm>> -> memref<128x64xf32, #tpu.memory_space<hbm>>
      %dma_start3A_158 = arith.constant 0 : i32
      %dma_start3A_159 = tpu.memref_slice %arg4[%add3A_155, %dma_start3A_158] : memref<204800x64xf32, #tpu.memory_space<hbm>> -> memref<128x64xf32, #tpu.memory_space<hbm>>
      tpu.enqueue_dma source(%arg10 : memref<128x64xf32, #tpu.memory_space<vmem>>) target(%dma_start3A_159 : memref<128x64xf32, #tpu.memory_space<hbm>>) target_semaphore(%arg20 : memref<!tpu.dma_semaphore, #tpu.memory_space<semaphore_mem>>)
      %lt3A_160 = arith.constant 9 : i32
      %lt3A_161 = arith.cmpi slt, %scan3A_60, %lt3A_160 : i32
      %convert_element_type3A_162 = arith.extui %lt3A_161 : i1 to i32
      %cond3A_163 = arith.constant 0 : i32
      %cond3A_164 = arith.cmpi ne, %convert_element_type3A_162, %cond3A_163 : i32
      scf.if %cond3A_164 {
        %dma_wait3A_165 = arith.constant 0 : i32
        %dma_wait3A_166 = tpu.memref_slice %arg4[%mul3A_2, %dma_wait3A_165] : memref<204800x64xf32, #tpu.memory_space<hbm>> -> memref<128x64xf32, #tpu.memory_space<hbm>>
        %dma_wait3A_167 = arith.constant 0 : i32
        %dma_wait3A_168 = tpu.memref_slice %arg4[%mul3A_2, %dma_wait3A_167] : memref<204800x64xf32, #tpu.memory_space<hbm>> -> memref<128x64xf32, #tpu.memory_space<hbm>>
        tpu.wait_dma2 semaphore(%arg20 : memref<!tpu.dma_semaphore, #tpu.memory_space<semaphore_mem>>) src(%arg10 : memref<128x64xf32, #tpu.memory_space<vmem>>) dst(%dma_wait3A_168 : memref<128x64xf32, #tpu.memory_space<hbm>>)
        %add3A_169 = arith.constant 5 : i32
        %add3A_170 = arith.addi %add3A_145, %add3A_169 : i32
        %dma_start3A_171 = arith.constant 0 : i32
        %dma_start3A_172 = tpu.memref_slice %arg5[%add3A_170, %dma_start3A_171] : memref<50x128xi32, #tpu.memory_space<vmem>> -> memref<1x128xi32, #tpu.memory_space<vmem>>
        %dma_start3A_173 = tpu.memref_squeeze %dma_start3A_172 : memref<1x128xi32, #tpu.memory_space<vmem>> -> memref<128xi32, #tpu.memory_space<vmem>>
        %dma_start3A_174 = arith.constant 0 : i32
        %dma_start3A_175 = arith.constant 0 : i32
        %dma_start3A_176 = tpu.memref_slice %arg3[%dma_start3A_174, %dma_start3A_175] : memref<1000000x64xf32, #tpu.memory_space<hbm>> -> memref<1000000x64xf32, #tpu.memory_space<hbm>>
        tpu.enqueue_indirect_dma source(%dma_start3A_176 : memref<1000000x64xf32, #tpu.memory_space<hbm>>) target(%arg10 : memref<128x64xf32, #tpu.memory_space<vmem>>) offsets(%dma_start3A_173 : memref<128xi32, #tpu.memory_space<vmem>>) semaphore(%arg15 : memref<!tpu.dma_semaphore, #tpu.memory_space<semaphore_mem>>)
      } else {
      }
    }
    %scan3A_40 = arith.constant 10 : i32
    %dma_wait3A = arith.constant 0 : i32
    %dma_wait3A_41 = tpu.memref_slice %arg4[%mul3A_2, %dma_wait3A] : memref<204800x64xf32, #tpu.memory_space<hbm>> -> memref<128x64xf32, #tpu.memory_space<hbm>>
    %dma_wait3A_42 = arith.constant 0 : i32
    %dma_wait3A_43 = tpu.memref_slice %arg4[%mul3A_2, %dma_wait3A_42] : memref<204800x64xf32, #tpu.memory_space<hbm>> -> memref<128x64xf32, #tpu.memory_space<hbm>>
    tpu.wait_dma2 semaphore(%arg16 : memref<!tpu.dma_semaphore, #tpu.memory_space<semaphore_mem>>) src(%arg6 : memref<128x64xf32, #tpu.memory_space<vmem>>) dst(%dma_wait3A_43 : memref<128x64xf32, #tpu.memory_space<hbm>>)
    %dma_wait3A_44 = arith.constant 0 : i32
    %dma_wait3A_45 = tpu.memref_slice %arg4[%mul3A_2, %dma_wait3A_44] : memref<204800x64xf32, #tpu.memory_space<hbm>> -> memref<128x64xf32, #tpu.memory_space<hbm>>
    %dma_wait3A_46 = arith.constant 0 : i32
    %dma_wait3A_47 = tpu.memref_slice %arg4[%mul3A_2, %dma_wait3A_46] : memref<204800x64xf32, #tpu.memory_space<hbm>> -> memref<128x64xf32, #tpu.memory_space<hbm>>
    tpu.wait_dma2 semaphore(%arg17 : memref<!tpu.dma_semaphore, #tpu.memory_space<semaphore_mem>>) src(%arg7 : memref<128x64xf32, #tpu.memory_space<vmem>>) dst(%dma_wait3A_47 : memref<128x64xf32, #tpu.memory_space<hbm>>)
    %dma_wait3A_48 = arith.constant 0 : i32
    %dma_wait3A_49 = tpu.memref_slice %arg4[%mul3A_2, %dma_wait3A_48] : memref<204800x64xf32, #tpu.memory_space<hbm>> -> memref<128x64xf32, #tpu.memory_space<hbm>>
    %dma_wait3A_50 = arith.constant 0 : i32
    %dma_wait3A_51 = tpu.memref_slice %arg4[%mul3A_2, %dma_wait3A_50] : memref<204800x64xf32, #tpu.memory_space<hbm>> -> memref<128x64xf32, #tpu.memory_space<hbm>>
    tpu.wait_dma2 semaphore(%arg18 : memref<!tpu.dma_semaphore, #tpu.memory_space<semaphore_mem>>) src(%arg8 : memref<128x64xf32, #tpu.memory_space<vmem>>) dst(%dma_wait3A_51 : memref<128x64xf32, #tpu.memory_space<hbm>>)
    %dma_wait3A_52 = arith.constant 0 : i32
    %dma_wait3A_53 = tpu.memref_slice %arg4[%mul3A_2, %dma_wait3A_52] : memref<204800x64xf32, #tpu.memory_space<hbm>> -> memref<128x64xf32, #tpu.memory_space<hbm>>
    %dma_wait3A_54 = arith.constant 0 : i32
    %dma_wait3A_55 = tpu.memref_slice %arg4[%mul3A_2, %dma_wait3A_54] : memref<204800x64xf32, #tpu.memory_space<hbm>> -> memref<128x64xf32, #tpu.memory_space<hbm>>
    tpu.wait_dma2 semaphore(%arg19 : memref<!tpu.dma_semaphore, #tpu.memory_space<semaphore_mem>>) src(%arg9 : memref<128x64xf32, #tpu.memory_space<vmem>>) dst(%dma_wait3A_55 : memref<128x64xf32, #tpu.memory_space<hbm>>)
    %dma_wait3A_56 = arith.constant 0 : i32
    %dma_wait3A_57 = tpu.memref_slice %arg4[%mul3A_2, %dma_wait3A_56] : memref<204800x64xf32, #tpu.memory_space<hbm>> -> memref<128x64xf32, #tpu.memory_space<hbm>>
    %dma_wait3A_58 = arith.constant 0 : i32
    %dma_wait3A_59 = tpu.memref_slice %arg4[%mul3A_2, %dma_wait3A_58] : memref<204800x64xf32, #tpu.memory_space<hbm>> -> memref<128x64xf32, #tpu.memory_space<hbm>>
    tpu.wait_dma2 semaphore(%arg20 : memref<!tpu.dma_semaphore, #tpu.memory_space<semaphore_mem>>) src(%arg10 : memref<128x64xf32, #tpu.memory_space<vmem>>) dst(%dma_wait3A_59 : memref<128x64xf32, #tpu.memory_space<hbm>>)
    return
  }
}

module attributes {stable_mosaic.version = 14 : i64} {
  func.func @_tc_ln(%arg0: i32, %arg1: memref<3200x128xf32, #tpu.memory_space<vmem>>, %arg2: memref<100x128xf32, #tpu.memory_space<vmem>>, %arg3: memref<32x200x64xf32, #tpu.memory_space<vmem>>) attributes {dimension_semantics = [#tpu.dimension_semantics<arbitrary>], iteration_bounds = array<i64: 32>, scalar_prefetch = 0 : i64, scratch_operands = 0 : i64, tpu.core_type = #tpu.core_type<tc>, window_params = [{transform_indices = @transform_0, window_bounds = array<i64: 3200, 128>}, {pipeline_mode = #tpu.pipeline_mode<synchronous>, transform_indices = @transform_1, window_bounds = array<i64: 100, 128>}, {transform_indices = @transform_2, window_bounds = array<i64: 32, 200, 64>}]} {
    %get3A = arith.constant 0 : index
    %get3A_0 = arith.constant 0 : index
    %get3A_1 = vector.load %arg1[%get3A, %get3A_0] : memref<3200x128xf32, #tpu.memory_space<vmem>>, vector<3200x128xf32>
    %reshape3A = vector.shape_cast %get3A_1 : vector<3200x128xf32> to vector<32x100x128xf32>
    %get3A_2 = arith.constant 0 : index
    %get3A_3 = arith.constant 0 : index
    %get3A_4 = vector.load %arg2[%get3A_2, %get3A_3] : memref<100x128xf32, #tpu.memory_space<vmem>>, vector<100x128xf32>
    %broadcast_in_dim3A = vector.shape_cast %get3A_4 : vector<100x128xf32> to vector<1x100x128xf32>
    %add3A = vector.broadcast %broadcast_in_dim3A : vector<1x100x128xf32> to vector<32x100x128xf32>
    %add3A_5 = arith.addf %reshape3A, %add3A : vector<32x100x128xf32>
    %reshape3A_6 = vector.shape_cast %add3A_5 : vector<32x100x128xf32> to vector<32x100x2x64xf32>
    %reduce_sum3A = arith.constant dense<0.000000e+00> : vector<32x100x2xf32>
    %reduce_sum3A_7 = vector.multi_reduction <add>, %reshape3A_6, %reduce_sum3A [3] : vector<32x100x2x64xf32> to vector<32x100x2xf32>
    %broadcast_in_dim3A_8 = vector.shape_cast %reduce_sum3A_7 : vector<32x100x2xf32> to vector<32x100x2x1xf32>
    %div3A = arith.constant 6.400000e+01 : f32
    %div3A_9 = vector.broadcast %div3A : f32 to vector<32x100x2x1xf32>
    %div3A_10 = arith.divf %broadcast_in_dim3A_8, %div3A_9 : vector<32x100x2x1xf32>
    %sub3A = vector.broadcast %div3A_10 : vector<32x100x2x1xf32> to vector<32x100x2x64xf32>
    %sub3A_11 = arith.subf %reshape3A_6, %sub3A : vector<32x100x2x64xf32>
    %mul3A = arith.mulf %sub3A_11, %sub3A_11 : vector<32x100x2x64xf32>
    %reduce_sum3A_12 = arith.constant dense<0.000000e+00> : vector<32x100x2xf32>
    %reduce_sum3A_13 = vector.multi_reduction <add>, %mul3A, %reduce_sum3A_12 [3] : vector<32x100x2x64xf32> to vector<32x100x2xf32>
    %broadcast_in_dim3A_14 = vector.shape_cast %reduce_sum3A_13 : vector<32x100x2xf32> to vector<32x100x2x1xf32>
    %div3A_15 = arith.constant 6.400000e+01 : f32
    %div3A_16 = vector.broadcast %div3A_15 : f32 to vector<32x100x2x1xf32>
    %div3A_17 = arith.divf %broadcast_in_dim3A_14, %div3A_16 : vector<32x100x2x1xf32>
    %add3A_18 = arith.constant 9.99999997E-7 : f32
    %add3A_19 = vector.broadcast %add3A_18 : f32 to vector<32x100x2x1xf32>
    %add3A_20 = arith.addf %div3A_17, %add3A_19 : vector<32x100x2x1xf32>
    %rsqrt3A = math.rsqrt %add3A_20 : vector<32x100x2x1xf32>
    %mul3A_21 = vector.broadcast %rsqrt3A : vector<32x100x2x1xf32> to vector<32x100x2x64xf32>
    %mul3A_22 = arith.mulf %sub3A_11, %mul3A_21 : vector<32x100x2x64xf32>
    %reshape3A_23 = vector.shape_cast %mul3A_22 : vector<32x100x2x64xf32> to vector<32x200x64xf32>
    %swap3A = arith.constant 0 : index
    %swap3A_24 = arith.constant 0 : index
    %swap3A_25 = arith.constant 0 : index
    %swap3A_26 = vector.load %arg3[%swap3A, %swap3A_24, %swap3A_25] : memref<32x200x64xf32, #tpu.memory_space<vmem>>, vector<32x200x64xf32>
    tpu.vector_store %arg3[%swap3A, %swap3A_24, %swap3A_25], %reshape3A_23 {strides = array<i32>} : memref<32x200x64xf32, #tpu.memory_space<vmem>>, vector<32x200x64xf32>,
    return
  }
  func.func @transform_0(%arg0: i32) -> (i32, i32) {
    %c0_i32 = arith.constant 0 : i32
    %c0_i32_0 = arith.constant 0 : i32
    return %arg0, %c0_i32 : i32, i32
  }
  func.func @transform_1(%arg0: i32) -> (i32, i32) {
    %c0_i32 = arith.constant 0 : i32
    %c0_i32_0 = arith.constant 0 : i32
    %c0_i32_1 = arith.constant 0 : i32
    return %c0_i32, %c0_i32_0 : i32, i32
  }
  func.func @transform_2(%arg0: i32) -> (i32, i32, i32) {
    %c0_i32 = arith.constant 0 : i32
    %c0_i32_0 = arith.constant 0 : i32
    %c0_i32_1 = arith.constant 0 : i32
    return %arg0, %c0_i32, %c0_i32_0 : i32, i32, i32
  }
}

</mosaic_0001>

<sc_bundles>
// kernel: _run.4.cloned.1.call-start
scs
__scs_entry_jumppad:
0x0: {  	(pc) =	sbr.rel $0x88, $3  }
0x1: {  	(tag) =	ssettag $0x0;
	lr =	simm.s32 $0x1  }
0x2: {  	[smem:$0x3F9E] =	sst lr;
	_ =	strace $0xD0000000  }
0x3: {  	_ = 	snop  }
0x4: {  	_ = 	snop  }
0x5: {  	_ = 	snop  }
0x6: {  	_ = 	snop  }
0x7: {  	_ = 	snop  }
__scs_overlays_trampoline_lowered:
0x8: {  	[smem:$0x3FAD] =	sst s0  }
0x9: {  	[smem:$0x3FAE] =	sst s1  }
0xa: {  	[smem:$0x3FAF] =	sst s2  }
0xb: {  	[smem:$0x3FB0] =	sst s3  }
0xc: {  	[smem:$0x3FB1] =	sst s4  }
0xd: {  	[smem:$0x3FB2] =	sst s5  }
0xe: {  	[smem:$0x3FB3] =	sst s6  }
0xf: {  	[smem:$0x3FB4] =	sst s7  }
0x10: {  	[smem:$0x3FB5] =	sst s8  }
0x11: {  	[smem:$0x3FB6] =	sst s9;
	s0 =	simm.s32 @!p0 $0x0  }
0x12: {  	s1 =	sld [smem:$0x3F9C];
	s0 =	simm.s32 @p0 $0x1  }
0x13: {  	[smem:$0x3FB7] =	sst s0;
	s0 =	simm.s32 @!p1 $0x0  }
0x14: {  	s2 =	sld [smem:$0x3F9B];
	s0 =	simm.s32 @p1 $0x1  }
0x15: {  	[smem:$0x3FB8] =	sst s0;
	s0 =	simm.s32 @!p2 $0x0  }
0x16: {  	s3 =	sld [smem:$0x3FDB];
	s0 =	simm.s32 @p2 $0x1  }
0x17: {  	s4 =	simm.s32 $0x1BF5;
	[smem:$0x3FBA] =	sst s0  }
0x18: {  	s0 =	sld [smem:$0x3F9D];
	_ =	swait.ge [sflag:s4], $0x0  }
0x19: {  	s7 =	sld [smem:$0x3F9E]  }
0x1a: {  	s8 =	sadd.s32 $0xFFFFE003, lr  }
0x1b: {  	s9 =	sadd.s32 $0xFFFFFEF7, lr;
	s5 =	simm.s32 $0xFFFFFFFF;
	p2 =	slt.u32 s8, $0xFFFFF086  }
0x1c: {  	p1 =	slt.u32 s9, $0xF7A;
	s5 =	simm.s32 @!p2 $0x0  }
0x1d: {  	s5 =	simm.s32 @p1 $0x1;
	p0 =	seq.s32 s7, s2  }
0x1e: {  	s7 =	smul.u32 @!p0 $0xF7A, s2;
	p2 =	seq.s32 @!p0 s5, $0x0  }
0x1f: {  	s9 =	smul.u32 $0xF7A, s1;
	s8 =	simm.s32 @!p0 $0x1BF5;
	p2 =	por !p2, p0  }
0x20: {  	[sflag:s8] =	ssyncset.s32 @!p0 $0xFFFFF086;
	s6 =	sadd.s32 @!p0 s3, s7;
	s7 =	simm.s32 @!p0 $0x108  }
0x21: {  	s3 =	sadd.s32 s3, s9;
	s6 =	sadd.s32 @!p0 $0x88, s6;
	s7 =	simm.s32 @p2 $0x1082  }
0x22: {  	[simem:s7], [sflag:s8] =	dma.local @!p0 [hbm:s6], $0xF7A  }
0x23: {  	s9 =	sor.u32 $0xD0000000, s2;
	s6 =	simm.s32 $0x108;
	_ =	swait.ge @!p0 [sflag:s8], $0x0  }
0x24: {  	s3 =	sadd.s32 $0x88, s3;
	s6 =	simm.s32 @!p1 $0x1082;
	[sflag:s4] =	ssyncset.s32 $0xFFFFF086  }
0x25: {  	[simem:s6], [sflag:s4] =	dma.local [hbm:s3], $0xF7A  }
0x26: {  	[smem:$0x3F9E] =	sst s1;
	(tag) =	ssettag s2;
	_ =	strace s9  }
0x27: {  	s1 =	sld [smem:$0x3FAE]  }
0x28: {  	s2 =	sld [smem:$0x3FAF]  }
0x29: {  	s4 =	sld [smem:$0x3FB1]  }
0x2a: {  	p0 =	seq.s32 s5, $0x0;
	s5 =	sld [smem:$0x3FB2]  }
0x2b: {  	s6 =	sld [smem:$0x3FB3]  }
0x2c: {  	s7 =	sld [smem:$0x3FB4]  }
0x2d: {  	s3 =	simm.s32 $0x108;
	s8 =	sld [smem:$0x3FB5]  }
0x2e: {  	s3 =	simm.s32 @!p0 $0x1082;
	s9 =	sld [smem:$0x3FB6]  }
0x2f: {  	lr =	sadd.s32 s0, s3;
	s0 =	sld [smem:$0x3FAD]  }
0x30: {  	s3 =	sld [smem:$0x3FB0]  }
0x31: {  	[smem:$0x3FB9] =	sst s10  }
0x32: {  	s10 =	sld [smem:$0x3FB7];
	_ =	sdelay $0x3  }
0x33: {  	p0 =	seq.s32 s10, $0x1;
	s10 =	sld [smem:$0x3FB9];
	_ =	sdelay $0x3  }
0x34: {  	[smem:$0x3FB9] =	sst s10  }
0x35: {  	s10 =	sld [smem:$0x3FB8];
	_ =	sdelay $0x3  }
0x36: {  	p1 =	seq.s32 s10, $0x1;
	s10 =	sld [smem:$0x3FB9];
	_ =	sdelay $0x3  }
0x37: {  	[smem:$0x3FB9] =	sst s10  }
0x38: {  	s10 =	sld [smem:$0x3FBA]  }
0x39: {  	_ = 	snop;
	(pc) =	sbr.ind lr, $3  }
0x3a: {  	_ = 	snop  }
0x3b: {  	_ = 	snop  }
0x3c: {  	p2 =	seq.s32 s10, $0x1;
	s10 =	sld [smem:$0x3FB9]  }
0x3d: {  	_ =	shalt  }
0x3e: {  	_ =	shalt  }
0x3f: {  	_ =	shalt  }
0x40: {  	_ =	shalt  }
0x41: {  	_ =	shalt  }
0x42: {  	_ =	shalt  }
0x43: {  	_ =	shalt  }
0x44: {  	_ =	shalt  }
0x45: {  	_ =	shalt  }
0x46: {  	_ =	shalt  }
0x47: {  	_ =	shalt  }
0x48: {  	_ =	shalt  }
0x49: {  	_ =	shalt  }
0x4a: {  	_ =	shalt  }
0x4b: {  	_ =	shalt  }
0x4c: {  	_ =	shalt  }
0x4d: {  	_ =	shalt  }
0x4e: {  	_ =	shalt  }
0x4f: {  	_ =	shalt  }
0x50: {  	_ =	shalt  }
0x51: {  	_ =	shalt  }
0x52: {  	_ =	shalt  }
0x53: {  	_ =	shalt  }
0x54: {  	_ =	shalt  }
0x55: {  	_ =	shalt  }
0x56: {  	_ =	shalt  }
0x57: {  	_ =	shalt  }
0x58: {  	_ =	shalt  }
0x59: {  	_ =	shalt  }
0x5a: {  	_ =	shalt  }
0x5b: {  	_ =	shalt  }
0x5c: {  	_ =	shalt  }
0x5d: {  	_ =	shalt  }
0x5e: {  	_ =	shalt  }
0x5f: {  	_ =	shalt  }
0x60: {  	_ =	shalt  }
0x61: {  	_ =	shalt  }
0x62: {  	_ =	shalt  }
0x63: {  	_ =	shalt  }
0x64: {  	_ =	shalt  }
0x65: {  	_ =	shalt  }
0x66: {  	_ =	shalt  }
0x67: {  	_ =	shalt  }
0x68: {  	_ =	shalt  }
0x69: {  	_ =	shalt  }
0x6a: {  	_ =	shalt  }
0x6b: {  	_ =	shalt  }
0x6c: {  	_ =	shalt  }
0x6d: {  	_ =	shalt  }
0x6e: {  	_ =	shalt  }
0x6f: {  	_ =	shalt  }
0x70: {  	_ =	shalt  }
0x71: {  	_ =	shalt  }
0x72: {  	_ =	shalt  }
0x73: {  	_ =	shalt  }
0x74: {  	_ =	shalt  }
0x75: {  	_ =	shalt  }
0x76: {  	_ =	shalt  }
0x77: {  	_ =	shalt  }
0x78: {  	_ =	shalt  }
0x79: {  	_ =	shalt  }
0x7a: {  	_ =	shalt  }
0x7b: {  	_ =	shalt  }
0x7c: {  	_ =	shalt  }
0x7d: {  	_ =	shalt  }
0x7e: {  	_ =	shalt  }
0x7f: {  	_ =	shalt  }
0x80: {  	_ =	shalt  }
0x81: {  	_ =	shalt  }
0x82: {  	_ =	shalt  }
0x83: {  	_ =	shalt  }
0x84: {  	_ =	shalt  }
0x85: {  	_ =	shalt  }
0x86: {  	_ =	shalt  }
0x87: {  	_ =	shalt  }
.Lfunc_end0:
.L_simem_size_0:
called_computation_lowered:
.L_overlay_start_0:
0x88: {  	s2 =	sld [smem:$0x3FD9]  }
0x89: {  	s3 =	sld [smem:$0x3FFE];
	_ =	sdelay $0x1  }
0x8a: {  	s1 =	srdreg.scid  }
0x8b: {  	s0 =	sand.u32 $0x1, s1  }
0x8c: {  	s17 =	sshll.u32 s0, $0xA;
	s2 =	sadd.s32 s3, s2  }
0x8d: {  	s2 =	sadd.s32 s2, s17  }
0x8e: {  	[smem:$0x3FC5] =	sst s2  }
0x8f: {  	_ = 	snop  }
0x90: {  	s2 =	sld [smem:$0x3FD0];
	(tm) =	ssettm $0x1  }
0x91: {  	s18 =	sld [smem:$0x3FFB];
	_ =	sdelay $0x3  }
0x92: {  	_ =	strace s18  }
0x93: {  	s3 =	sld [smem:$0x3FFC];
	_ =	sdelay $0x3  }
0x94: {  	_ =	strace s3  }
0x95: {  	s3 =	sld [smem:$0x3FFD];
	_ =	sdelay $0x3  }
0x96: {  	_ =	strace s3  }
0x97: {  	_ =	strace $0x8FFFFFFF  }
0x98: {  	s19 =	sld [smem:$0x3FDB];
	_ =	sdelay $0x1  }
0x99: {  	s4 =	simm.s32 $_scs_section_size  }
0x9a: {  	s5 =	simm.s32 $_size__tile_overlayer_lowered;
	s6 =	simm.s32 $_tile_overlayer_lowered  }
0x9b: {  	s22 =	simm.s32 $0x1BFF;
	s21 =	sshll.u32 s6, $0x1;
	s3 =	sadd.s32 s4, s19  }
0x9c: {  	s7 =	simm.s32 $0x0;
	s20 =	sshll.u32 s5, $0x1;
	s5 =	sadd.s32 s21, s3  }
0x9d: {  	[timem:s7], [sflag:s22] =	dma.local [hbm:s5], s20  }
0x9e: {  	_ =	swait.ge [sflag:s22], s20  }
0x9f: {  	s4 =	ssub.s32 $0x0, s20;
	[sflag:s22] =	ssyncset.done $0x0  }
0xa0: {  	[sflag:s22] =	ssyncadd.s32 s4;
	_ =	sdelay $0x1  }
0xa1: {  	s23 =	simm.s32 $0x1B8B  }
0xa2: {  	_ =	swait.ge [sflag:s23], $0x1  }
0xa3: {  	[sflag:s23] =	ssyncset.done $0x0  }
0xa4: {  	s25 =	simm.s32 $0x1B8E;
	s24 =	sld [smem:$0x3FFE];
	[sflag:s23] =	ssyncadd.s32 $0xFFFFFFFF  }
0xa5: {  	s26 =	simm.s32 $execute0_lowered;
	[smem:$0x3FD2] =	sst s25  }
0xa6: {  	s5 =	sshll.u32 s26, $0x1;
	_ =	strace $0x80000046;
	[dreg:$0x1] =	wrdreg $0xFFFFFFFF  }
0xa7: {  	s28 =	simm.s32 $_size_execute0_lowered;
	s3 =	sadd.s32 s3, s5;
	[dreg:$0x0] =	wrdreg $0x0  }
0xa8: {  	s5 =	sshll.u32 s28, $0x1;
	[dreg:$0x2] =	wrdreg s3  }
0xa9: {  	[dreg:$0x3] =	wrdreg s5  }
0xaa: {  	[dreg:$0x4] =	wrdreg $0xC0  }
0xab: {  	_ =	task [dreg:s7], $0x5FFFF  }
0xac: {  	[dreg:$0x1] =	wrdreg $0xFFFFFFFF  }
0xad: {  	[dreg:$0x0] =	wrdreg $0x60  }
0xae: {  	[dreg:$0x2] =	wrdreg s24  }
0xaf: {  	[dreg:$0x3] =	wrdreg s2  }
0xb0: {  	[dreg:$0x4] =	wrdreg $0x9  }
0xb1: {  	_ =	task.clear_ibuf [dreg:s7], $0x5FFFF;
	_ =	strace $0x90000046  }
0xb2: {  	s29 =	simm.s32 $0x9;
	_ =	strace $0x80000048  }
0xb3: {  	_ =	swait.ge [sflag:s29], $0x1  }
0xb4: {  	[sflag:s29] =	ssyncadd.s32 $0xFFFFFFFF  }
0xb5: {  	_ =	strace $0x90000048  }
0xb6: {  	_ =	sfence  }
0xb7: {  	s30 =	sld [smem:$0x0];
	_ =	sdelay $0x2  }
0xb8: {  	s31 =	sshll.u32 s1, $0xD;
	s1 =	sshrl.u32 s1, $0x2  }
0xb9: {  	s3 =	sand.u32 $0x4000, s31;
	s1 =	sadd.s32 s1, s30  }
0xba: {  	s0 =	sor.u32 s3, s0;
	s1 =	sshll.u32 s1, $0x11  }
0xbb: {  	s0 =	sor.u32 s1, s0  }
0xbc: {  	s0 =	sadd.s32 $0x8F2B, s0  }
0xbd: {  	[sflag:s0] =	ssyncadd.remote.s32 $0x1  }
0xbe: {  	_ =	sfence.sel $0xFFFF  }
0xbf: {  	[dreg:$0x0] =	wrdreg $0xFFFFFFFF;
	(pc) =	sbr.abs _section_cstart, $3  }
0xc0: {  	[dreg:$0x1] =	wrdreg $0xFFFFFFFF  }
0xc1: {  	_ =	task.clear_ibuf [dreg:s7], $0x2FFFF;
	_ =	strace $0x9FFFFFFF  }
0xc2: {  	(tm) =	ssettm $0x7FFFFFFF  }
0xc3: {  	_ =	shalt  }
tec
execute0_lowered:
.L_overlay_start_1:
0x0: {  	(tag) =	ssettag $0x1  }
0x1: {  	s0 =	srdreg.scid  }
0x2: {  	s10 =	stileid.u32;
	s1 =	rddreg [dreg:$0x0]  }
0x3: {  	s5 =	rddreg [dreg:$0x1];
	s11 =	simm.s32 $0xB;
	s12 =	simm.s32 $0x80  }
0x4: {  	s13 =	simm.s32 $0x1900;
	s14 =	simm.s32 $0x3900;
	s16 =	simm.s32 $0x5900  }
0x5: {  	s18 =	simm.s32 $0x7900;
	s20 =	simm.s32 $0x9900;
	s28 =	simm.s32 $0x7  }
0x6: {  	s29 =	simm.s32 $0x8;
	s30 =	simm.s32 $0x9;
	s4 =	smul.u32 $0x3200, s10  }
0x7: {  	s0 =	sand.u32 $0x1, s0;
	s2 =	sshll.u32 s10, $0x1;
	s23 =	smul.u32 $0x19000, s10  }
0x8: {  	s31 =	simm.s32 $0xA;
	s3 =	sor.u32 s0, s2;
	s7 =	smul.u32 $0x1900, s0  }
0x9: {  	s2 =	simm.s32 $0x0;
	s6 =	ssub.s32 $0x2, s0;
	s3 =	smul.u32 $0x1900, s3  }
0xa: {  	s0 =	smul.u32 $0xC800, s0;
	[smem:$0x7FF] =	sst s2;
	s9 =	sshrl.u32 s6, $0x1  }
0xb: {  	_ =	strace $0x80000047;
	s4 =	sadd.s32 s7, s4;
	s3 =	sshrl.u32 s3, $0x3  }
0xc: {  	s21 =	ssub.s32 s6, s9;
	s4 =	sshll.u32 s4, $0x3;
	s8 =	sadd.s32 s3, s1  }
0xd: {  	s3 =	sadd.s32 $0xF42C00, s1;
	s1 =	smax.u32 s21, $0x1;
	s24 =	sadd.s32 s4, s5  }
0xe: {  	s5 =	sadd.s32 s23, s5;
	s22 =	sadd.s32 $0x800, s8;
	[dreg:$0x4] =	wrdreg s1  }
0xf: {  	s21 =	simm.s32 $0x1;
	s4 =	sadd.s32 $0x1000, s24;
	[dreg:$0x3] =	wrdreg s22  }
.Ltmp0:
0x10: {  	s25 =	sadd.s32 $0xC00, s24;
	[dreg:$0x5] =	wrdreg s4;
	(pc) =	sbr.rel .LBB2_1-.Ltmp0, $4  }
0x11: {  	s23 =	simm.s32 $0x3;
	s26 =	sadd.s32 $0x800, s24;
	[dreg:$0x6] =	wrdreg s25  }
0x12: {  	s1 =	sadd.s32 $0x400, s24;
	s0 =	sadd.s32 s0, s5;
	[dreg:$0x7] =	wrdreg s26  }
0x13: {  	s24 =	simm.s32 $0x4;
	[dreg:$0x8] =	wrdreg s1;
	s22 =	simm.s32 $0x2  }
0x14: {  	s25 =	simm.s32 $0x5;
	s26 =	simm.s32 $0x6;
	s1 =	simm.s32 $0x0  }
.LBB2_4:
0x15: {  	_ =	swait.ge [sflag:s26], $0x2000  }
0x16: {  	[sflag:s26] =	ssyncset.done $0x0  }
0x17: {  	[sflag:s26] =	ssyncadd.s32 $0xFFFFE000  }
0x18: {  	_ =	swait.ge [sflag:s28], $0x2000  }
0x19: {  	[sflag:s28] =	ssyncset.done $0x0  }
0x1a: {  	[sflag:s28] =	ssyncadd.s32 $0xFFFFE000  }
0x1b: {  	_ =	swait.ge [sflag:s29], $0x2000  }
0x1c: {  	[sflag:s29] =	ssyncset.done $0x0  }
0x1d: {  	[sflag:s29] =	ssyncadd.s32 $0xFFFFE000  }
0x1e: {  	_ =	swait.ge [sflag:s30], $0x2000  }
0x1f: {  	[sflag:s30] =	ssyncset.done $0x0  }
0x20: {  	[sflag:s30] =	ssyncadd.s32 $0xFFFFE000  }
0x21: {  	_ =	swait.ge [sflag:s31], $0x2000  }
0x22: {  	s1 =	sadd.s32 $0x1, s1;
	s4 =	rddreg [dreg:$0x4]  }
0x23: {  	p0 =	sne.s32 s1, s4  }
.Ltmp1:
0x24: {  	_ = 	snop;
	(pc) =	sbr.rel @!p0 .LBB2_5-.Ltmp1, $3  }
0x25: {  	_ =	sdelay $0x1  }
0x26: {  	[sflag:s31] =	ssyncset.done $0x0  }
0x27: {  	[sflag:s31] =	ssyncadd.s32 $0xFFFFE000  }
.LBB2_1:
0x28: {  	s4 =	rddreg [dreg:$0x3]  }
0x29: {  	[tilespmem:s2], [sflag:$0xB] =	stream.linear.gather [hbm4b:s4+s2], $0x1900, $0x38;
	[tilespmem:$0xB900] =	vst v63  }
0x2a: {  	_ =	swait.ge [sflag:s11], $0x1900  }
0x2b: {  	[sflag:s11] =	ssyncset.done $0x0  }
0x2c: {  	[sflag:s11] =	ssyncadd.s32 $0xFFFFE700  }
0x2d: {  	[tilespmem:s13], [sflag:$0x1] =	stream.indirect.gather [hbm4b:s3+s12], $0x40, s2, s12, $0xb8;
	[tilespmem:$0xB900] =	vst v63  }
0x2e: {  	s9 =	rddreg [dreg:$0x8]  }
0x2f: {  	[tilespmem:s14], [sflag:$0x2] =	stream.indirect.gather [hbm4b:s3+s12], $0x40, s12, s12, $0xb8;
	[tilespmem:$0xB900] =	vst v63  }
0x30: {  	s15 =	simm.s32 $0x100;
	s8 =	rddreg [dreg:$0x7]  }
0x31: {  	[tilespmem:s16], [sflag:$0x3] =	stream.indirect.gather [hbm4b:s3+s12], $0x40, s15, s12, $0xb8;
	[tilespmem:$0xB900] =	vst v63  }
0x32: {  	s17 =	simm.s32 $0x180;
	s19 =	simm.s32 $0x200;
	s7 =	rddreg [dreg:$0x6]  }
0x33: {  	[tilespmem:s18], [sflag:$0x4] =	stream.indirect.gather [hbm4b:s3+s12], $0x40, s17, s12, $0xb8;
	[tilespmem:$0xB900] =	vst v63  }
0x34: {  	s10 =	smov.u32 s0;
	s5 =	simm.s32 $0x0;
	s6 =	rddreg [dreg:$0x5]  }
0x35: {  	[tilespmem:s20], [sflag:$0x5] =	stream.indirect.gather [hbm4b:s3+s12], $0x40, s19, s12, $0xb8;
	[tilespmem:$0xB900] =	vst v63  }
.LBB2_2:
0x36: {  	_ =	swait.ge [sflag:s21], $0x2000  }
0x37: {  	p0 =	seq.s32 s5, $0x5A00;
	[sflag:s21] =	ssyncset.done $0x0  }
0x38: {  	s4 =	simm.s32 @!p0 $0x6;
	[sflag:s21] =	ssyncadd.s32 $0xFFFFE000  }
0x39: {  	[hbm4b:s10+s2] =	stream.linear.scatter [tilespmem:s13], [sflag:$0x6], $0x2000, $0x38;
	[tilespmem:$0xB900] =	vst v63  }
0x3a: {  	_ =	swait.ge @!p0 [sflag:s4], $0x2000  }
0x3b: {  	[sflag:s4] =	ssyncset.done @!p0 $0x0  }
0x3c: {  	[sflag:s4] =	ssyncadd.s32 @!p0 $0xFFFFE000;
	s4 =	sshra.s32 @!p0 s5, $0x2  }
0x3d: {  	s17 =	simm.s32 @!p0 $0x80;
	s15 =	simm.s32 @!p0 $0x1900;
	s19 =	sadd.s32 @!p0 $0x280, s4  }
0x3e: {  	[tilespmem:s15], [sflag:$0x1] =	stream.indirect.gather @!p0 [hbm4b:s3+s17], $0x40, s19, s17, $0xb8;
	[tilespmem:$0xB900] =	vst v63  }
0x3f: {  	_ =	swait.ge [sflag:s22], $0x2000  }
0x40: {  	[sflag:s22] =	ssyncset.done $0x0  }
0x41: {  	s15 =	simm.s32 @!p0 $0x7;
	[sflag:s22] =	ssyncadd.s32 $0xFFFFE000  }
0x42: {  	[hbm4b:s9+s2] =	stream.linear.scatter [tilespmem:s14], [sflag:$0x7], $0x2000, $0x38;
	[tilespmem:$0xB900] =	vst v63  }
0x43: {  	_ =	swait.ge @!p0 [sflag:s15], $0x2000  }
0x44: {  	[sflag:s15] =	ssyncset.done @!p0 $0x0  }
0x45: {  	s19 =	simm.s32 @!p0 $0x3900;
	[sflag:s15] =	ssyncadd.s32 @!p0 $0xFFFFE000;
	s15 =	sadd.s32 @!p0 $0x300, s4  }
0x46: {  	[tilespmem:s19], [sflag:$0x2] =	stream.indirect.gather @!p0 [hbm4b:s3+s17], $0x40, s15, s17, $0xb8;
	[tilespmem:$0xB900] =	vst v63  }
0x47: {  	_ =	swait.ge [sflag:s23], $0x2000  }
0x48: {  	[sflag:s23] =	ssyncset.done $0x0  }
0x49: {  	s15 =	simm.s32 @!p0 $0x8;
	[sflag:s23] =	ssyncadd.s32 $0xFFFFE000  }
0x4a: {  	[hbm4b:s8+s2] =	stream.linear.scatter [tilespmem:s16], [sflag:$0x8], $0x2000, $0x38;
	[tilespmem:$0xB900] =	vst v63  }
0x4b: {  	_ =	swait.ge @!p0 [sflag:s15], $0x2000  }
0x4c: {  	[sflag:s15] =	ssyncset.done @!p0 $0x0  }
0x4d: {  	s19 =	simm.s32 @!p0 $0x5900;
	[sflag:s15] =	ssyncadd.s32 @!p0 $0xFFFFE000;
	s15 =	sadd.s32 @!p0 $0x380, s4  }
0x4e: {  	[tilespmem:s19], [sflag:$0x3] =	stream.indirect.gather @!p0 [hbm4b:s3+s17], $0x40, s15, s17, $0xb8;
	[tilespmem:$0xB900] =	vst v63  }
0x4f: {  	_ =	swait.ge [sflag:s24], $0x2000  }
0x50: {  	[sflag:s24] =	ssyncset.done $0x0  }
0x51: {  	s15 =	simm.s32 @!p0 $0x9;
	[sflag:s24] =	ssyncadd.s32 $0xFFFFE000  }
0x52: {  	[hbm4b:s7+s2] =	stream.linear.scatter [tilespmem:s18], [sflag:$0x9], $0x2000, $0x38;
	[tilespmem:$0xB900] =	vst v63  }
0x53: {  	_ =	swait.ge @!p0 [sflag:s15], $0x2000  }
0x54: {  	[sflag:s15] =	ssyncset.done @!p0 $0x0  }
0x55: {  	s4 =	sadd.s32 @!p0 $0x400, s4;
	[sflag:s15] =	ssyncadd.s32 @!p0 $0xFFFFE000;
	s15 =	simm.s32 @!p0 $0x7900  }
0x56: {  	[tilespmem:s15], [sflag:$0x4] =	stream.indirect.gather @!p0 [hbm4b:s3+s17], $0x40, s4, s17, $0xb8;
	[tilespmem:$0xB900] =	vst v63  }
.Ltmp2:
0x57: {  	_ = 	snop;
	(pc) =	sbr.rel @p0 .LBB2_4-.Ltmp2, $4  }
0x58: {  	_ =	swait.ge [sflag:s25], $0x2000  }
0x59: {  	[sflag:s25] =	ssyncset.done $0x0  }
0x5a: {  	[sflag:s25] =	ssyncadd.s32 $0xFFFFE000  }
0x5b: {  	[hbm4b:s6+s2] =	stream.linear.scatter [tilespmem:s20], [sflag:$0xA], $0x2000, $0x38;
	[tilespmem:$0xB900] =	vst v63  }
.Ltmp3:
0x5c: {  	_ =	swait.ge [sflag:s31], $0x2000;
	s4 =	sshra.s32 s5, $0x2;
	(pc) =	sbr.rel .LBB2_2-.Ltmp3, $4  }
0x5d: {  	s5 =	sadd.s32 $0xA00, s5;
	s6 =	sadd.s32 $0x1400, s6;
	s7 =	sadd.s32 $0x1400, s7  }
0x5e: {  	s8 =	sadd.s32 $0x1400, s8;
	s9 =	sadd.s32 $0x1400, s9;
	[sflag:s31] =	ssyncset.done $0x0  }
0x5f: {  	s10 =	sadd.s32 $0x1400, s10;
	s4 =	sadd.s32 $0x480, s4;
	[sflag:s31] =	ssyncadd.s32 $0xFFFFE000  }
0x60: {  	[tilespmem:s20], [sflag:$0x5] =	stream.indirect.gather [hbm4b:s3+s12], $0x40, s4, s12, $0xb8;
	[tilespmem:$0xB900] =	vst v63  }
.LBB2_5:
0x61: {  	_ =	sfence.sel $0x180000  }
0x62: {  	[bflag:$0x0] =	sbarrier.arrive $0xFFFF  }
0x63: {  	_ =	strace $0x90000047  }
0x64: {  	s0 =	stileid.u32;
	[bflag:$0x2] =	sbarrier.arrive $0xFFFF  }
0x65: {  	p0 =	sne.s32 s0, $0x0;
	s0 =	rddreg [dreg:$0x2]  }
0x66: {  	s0 =	sadd.s32 @!p0 $0x100000, s0  }
0x67: {  	[sflag:s0] =	ssyncadd.tile.s32 @!p0 $0x1;
	_ =	shalt  }
.Lfunc_end2:
_tile_overlayer_lowered:
.L_overlay_start_2:
0x68: {  	(tag) =	ssettag $0x2  }
0x69: {  	s0 =	rddreg [dreg:$0x0];
	s2 =	stileid.u32  }
0x6a: {  	s1 =	rddreg [dreg:$0x1];
	p0 =	sne.s32 s2, $0x0  }
0x6b: {  	s3 =	rddreg [dreg:$0x2];
	[bflag:$0x3] =	sbarrier.arrive $0xFFFF;
	s2 =	simm.s32 @!p0 $0x1C0B  }
0x6c: {  	[timem:s3], [sflag:s2] =	dma.local @!p0 [hbm:s0], s1  }
0x6d: {  	s0 =	simm.s32 @!p0 $0xB  }
0x6e: {  	_ =	swait.ge @!p0 [sflag:s0], s1  }
0x6f: {  	s1 =	ssub.s32 @!p0 $0x0, s1;
	[sflag:s0] =	ssyncset.done @!p0 $0x0  }
0x70: {  	[sflag:s0] =	ssyncadd.s32 @!p0 s1  }
0x71: {  	[bflag:$0x3] =	sbarrier.arrive $0xFFFF  }
0x72: {  	_ =	shalt  }

</sc_bundles>
